<compile_context>
chip_gen: v7x
topology: tpu7x:2x2x1
jax: 0.10.2.dev20260603
libtpu: 0.0.44.dev20260713+nightly
codegen_flags: <defaults>
</compile_context>

<pallas_src>
import jax
import jax.numpy as jnp
from jax.experimental import pallas as pl
from jax.experimental.pallas import tpu as pltpu

_N, _D = 1000000, 64
_W = 512
_RPR = _W // _D
_NR = _N * _D // _W
_BR = 1000
_GRID = _NR // _BR


def _body(idx_ref, val_ref, x_ref, o_ref):
    i = pl.program_id(0)
    idx0 = idx_ref[0]
    idx1 = idx_ref[1]
    lo = i * (_BR * _RPR)
    hi = lo + _BR * _RPR
    hit0 = jnp.logical_and(idx0 >= lo, idx0 < hi)
    hit1 = jnp.logical_and(idx1 >= lo, idx1 < hi)

    @pl.when(jnp.logical_or(hit0, hit1))
    def _():
        r = jax.lax.broadcasted_iota(jnp.int32, (_BR, _W), 0)
        c = jax.lax.broadcasted_iota(jnp.int32, (_BR, _W), 1)
        rows = lo + r * _RPR + c // _D
        cnt = (rows == idx0).astype(jnp.float32) + (rows == idx1).astype(
            jnp.float32)
        o_ref[...] = x_ref[...] + val_ref[0] * cnt

    @pl.when(jnp.logical_not(jnp.logical_or(hit0, hit1)))
    def _():
        o_ref[...] = x_ref[...]


def kernel(x, indices, values):
    x2 = x.reshape(_NR, _W)
    out = pl.pallas_call(
        _body,
        grid=(_GRID,),
        in_specs=[
            pl.BlockSpec(memory_space=pltpu.SMEM),
            pl.BlockSpec(memory_space=pltpu.SMEM),
            pl.BlockSpec((_BR, _W), lambda i: (i, 0)),
        ],
        out_specs=pl.BlockSpec((_BR, _W), lambda i: (i, 0)),
        out_shape=jax.ShapeDtypeStruct((_NR, _W), jnp.float32),
    )(indices, values.reshape(1), x2)
    return out.reshape(_N, _D)

# --- scband reference (transcript-rebuilt; emitter-appended) ---
"""Pipeline reference for scband-index-put-module-61933428409461 (READ-ONLY COPY).

The authoritative reference and input builder live on the scoring server;
editing this copy changes nothing except your own understanding.
"""

import jax, jax.numpy as jnp
import numpy as np


def setup_inputs(seed: int = 0) -> dict:
    key = jax.random.key(seed)
    x = jax.random.normal(key, (1000000, 64), dtype=jnp.float32)
    # Fixed buffers from the module's __init__: indices=[0,0], values=1.0
    indices = jnp.array([0, 0], dtype=jnp.int32)
    values = jnp.array(1.0, dtype=jnp.float32)
    return {"x": x, "indices": indices, "values": values}


def reference(x, indices, values):
    # Equivalent of torch index_put_([indices], values, accumulate=True):
    # scatter-add the scalar `values` into rows of x selected by `indices`.
    # Since indices = [0, 0], row 0 receives +values twice (duplicate accumulation).
    return x.at[indices].add(values)

if __name__ == "__main__":
    import jax
    _d = setup_inputs()
    print(jax.jit(kernel)(*tuple(_d.values())))

</pallas_src>

<mosaic_0001>
module attributes {stable_mosaic.version = 14 : i64} {
  func.func @_body(%arg0: i32, %arg1: memref<2xi32, #tpu.memory_space<smem>>, %arg2: memref<1xf32, #tpu.memory_space<smem>>, %arg3: memref<1000x512xf32, #tpu.memory_space<vmem>>, %arg4: memref<1000x512xf32, #tpu.memory_space<vmem>>) attributes {dimension_semantics = [#tpu.dimension_semantics<arbitrary>], iteration_bounds = array<i64: 125>, scalar_prefetch = 0 : i64, scratch_operands = 0 : i64, tpu.core_type = #tpu.core_type<tc>, window_params = [{transform_indices = @transform_0, window_bounds = array<i64: 2>}, {transform_indices = @transform_1, window_bounds = array<i64: 1>}, {transform_indices = @transform_2, window_bounds = array<i64: 1000, 512>}, {transform_indices = @transform_3, window_bounds = array<i64: 1000, 512>}]} {
    %get3A = arith.constant 0 : index
    %get3A_0 = memref.load %arg1[%get3A] : memref<2xi32, #tpu.memory_space<smem>>
    %get3A_1 = arith.constant 1 : index
    %get3A_2 = memref.load %arg1[%get3A_1] : memref<2xi32, #tpu.memory_space<smem>>
    %mul3A = arith.constant 8000 : i32
    %mul3A_3 = arith.muli %arg0, %mul3A : i32
    %add3A = arith.constant 8000 : i32
    %add3A_4 = arith.addi %mul3A_3, %add3A : i32
    %ge3A = arith.cmpi sge, %get3A_0, %mul3A_3 : i32
    %lt3A = arith.cmpi slt, %get3A_0, %add3A_4 : i32
    %and3A = arith.andi %ge3A, %lt3A : i1
    %ge3A_5 = arith.cmpi sge, %get3A_2, %mul3A_3 : i32
    %lt3A_6 = arith.cmpi slt, %get3A_2, %add3A_4 : i32
    %and3A_7 = arith.andi %ge3A_5, %lt3A_6 : i1
    %or3A = arith.ori %and3A, %and3A_7 : i1
    %convert_element_type3A = arith.extui %or3A : i1 to i32
    %cond3A = arith.constant 0 : i32
    %cond3A_8 = arith.cmpi ne, %convert_element_type3A, %cond3A : i32
    scf.if %cond3A_8 {
      %iota3A = tpu.iota {dimensions = array<i32: 0>} : vector<1000x512xi32>
      %iota3A_14 = tpu.iota {dimensions = array<i32: 1>} : vector<1000x512xi32>
      %mul3A_15 = arith.constant 8 : i32
      %mul3A_16 = vector.broadcast %mul3A_15 : i32 to vector<1000x512xi32>
      %mul3A_17 = arith.muli %iota3A, %mul3A_16 : vector<1000x512xi32>
      %add3A_18 = vector.broadcast %mul3A_3 : i32 to vector<1000x512xi32>
      %add3A_19 = arith.addi %add3A_18, %mul3A_17 : vector<1000x512xi32>
      %jit3A = arith.constant 64 : i32
      %div3A = vector.broadcast %jit3A : i32 to vector<1000x512xi32>
      %div3A_20 = arith.divsi %iota3A_14, %div3A : vector<1000x512xi32>
      %sign3A = arith.constant 0 : i32
      %sign3A_21 = vector.broadcast %sign3A : i32 to vector<1000x512xi32>
      %sign3A_22 = arith.cmpi sgt, %iota3A_14, %sign3A_21 : vector<1000x512xi32>
      %sign3A_23 = arith.extui %sign3A_22 : vector<1000x512xi1> to vector<1000x512xi32>
      %sign3A_24 = arith.constant 0 : i32
      %sign3A_25 = vector.broadcast %sign3A_24 : i32 to vector<1000x512xi32>
      %sign3A_26 = arith.cmpi slt, %iota3A_14, %sign3A_25 : vector<1000x512xi32>
      %sign3A_27 = arith.extui %sign3A_26 : vector<1000x512xi1> to vector<1000x512xi32>
      %sign3A_28 = arith.subi %sign3A_23, %sign3A_27 : vector<1000x512xi32>
      %sign3A_29 = arith.constant 0 : i32
      %sign3A_30 = arith.cmpi sgt, %jit3A, %sign3A_29 : i32
      %sign3A_31 = arith.extui %sign3A_30 : i1 to i32
      %sign3A_32 = arith.constant 0 : i32
      %sign3A_33 = arith.cmpi slt, %jit3A, %sign3A_32 : i32
      %sign3A_34 = arith.extui %sign3A_33 : i1 to i32
      %sign3A_35 = arith.subi %sign3A_31, %sign3A_34 : i32
      %ne3A = vector.broadcast %sign3A_35 : i32 to vector<1000x512xi32>
      %ne3A_36 = arith.cmpi ne, %sign3A_28, %ne3A : vector<1000x512xi32>
      %rem3A = vector.broadcast %jit3A : i32 to vector<1000x512xi32>
      %rem3A_37 = arith.remsi %iota3A_14, %rem3A : vector<1000x512xi32>
      %ne3A_38 = arith.constant 0 : i32
      %ne3A_39 = vector.broadcast %ne3A_38 : i32 to vector<1000x512xi32>
      %ne3A_40 = arith.cmpi ne, %rem3A_37, %ne3A_39 : vector<1000x512xi32>
      %and3A_41 = arith.andi %ne3A_36, %ne3A_40 : vector<1000x512xi1>
      %sub3A = arith.constant 1 : i32
      %sub3A_42 = vector.broadcast %sub3A : i32 to vector<1000x512xi32>
      %sub3A_43 = arith.subi %div3A_20, %sub3A_42 : vector<1000x512xi32>
      %select_n3A = arith.select %and3A_41, %sub3A_43, %div3A_20 : vector<1000x512xi1>, vector<1000x512xi32>
      %add3A_44 = arith.addi %add3A_19, %select_n3A : vector<1000x512xi32>
      %eq3A = vector.broadcast %get3A_0 : i32 to vector<1000x512xi32>
      %eq3A_45 = arith.cmpi eq, %add3A_44, %eq3A : vector<1000x512xi32>
      %convert_element_type3A_46 = arith.extui %eq3A_45 : vector<1000x512xi1> to vector<1000x512xi32>
      %convert_element_type3A_47 = arith.sitofp %convert_element_type3A_46 : vector<1000x512xi32> to vector<1000x512xf32>
      %eq3A_48 = vector.broadcast %get3A_2 : i32 to vector<1000x512xi32>
      %eq3A_49 = arith.cmpi eq, %add3A_44, %eq3A_48 : vector<1000x512xi32>
      %convert_element_type3A_50 = arith.extui %eq3A_49 : vector<1000x512xi1> to vector<1000x512xi32>
      %convert_element_type3A_51 = arith.sitofp %convert_element_type3A_50 : vector<1000x512xi32> to vector<1000x512xf32>
      %add3A_52 = arith.addf %convert_element_type3A_47, %convert_element_type3A_51 : vector<1000x512xf32>
      %get3A_53 = arith.constant 0 : index
      %get3A_54 = arith.constant 0 : index
      %get3A_55 = vector.load %arg3[%get3A_53, %get3A_54] : memref<1000x512xf32, #tpu.memory_space<vmem>>, vector<1000x512xf32>
      %get3A_56 = arith.constant 0 : index
      %get3A_57 = memref.load %arg2[%get3A_56] : memref<1xf32, #tpu.memory_space<smem>>
      %mul3A_58 = vector.broadcast %get3A_57 : f32 to vector<1000x512xf32>
      %mul3A_59 = arith.mulf %mul3A_58, %add3A_52 : vector<1000x512xf32>
      %add3A_60 = arith.addf %get3A_55, %mul3A_59 : vector<1000x512xf32>
      %swap3A = arith.constant 0 : index
      %swap3A_61 = arith.constant 0 : index
      %swap3A_62 = vector.load %arg4[%swap3A, %swap3A_61] : memref<1000x512xf32, #tpu.memory_space<vmem>>, vector<1000x512xf32>
      tpu.vector_store %arg4[%swap3A, %swap3A_61], %add3A_60 {strides = array<i32>} : memref<1000x512xf32, #tpu.memory_space<vmem>>, vector<1000x512xf32>,
    } else {
    }
    %or3A_9 = arith.ori %and3A, %and3A_7 : i1
    %not3A = arith.constant true
    %not3A_10 = arith.xori %or3A_9, %not3A : i1
    %convert_element_type3A_11 = arith.extui %not3A_10 : i1 to i32
    %cond3A_12 = arith.constant 0 : i32
    %cond3A_13 = arith.cmpi ne, %convert_element_type3A_11, %cond3A_12 : i32
    scf.if %cond3A_13 {
      %get3A_14 = arith.constant 0 : index
      %get3A_15 = arith.constant 0 : index
      %get3A_16 = vector.load %arg3[%get3A_14, %get3A_15] : memref<1000x512xf32, #tpu.memory_space<vmem>>, vector<1000x512xf32>
      %swap3A = arith.constant 0 : index
      %swap3A_17 = arith.constant 0 : index
      %swap3A_18 = vector.load %arg4[%swap3A, %swap3A_17] : memref<1000x512xf32, #tpu.memory_space<vmem>>, vector<1000x512xf32>
      tpu.vector_store %arg4[%swap3A, %swap3A_17], %get3A_16 {strides = array<i32>} : memref<1000x512xf32, #tpu.memory_space<vmem>>, vector<1000x512xf32>,
    } else {
    }
    return
  }
  func.func @transform_0(%arg0: i32) -> i32 {
    %c0_i32 = arith.constant 0 : i32
    %c0_i32_0 = arith.constant 0 : i32
    return %c0_i32 : i32
  }
  func.func @transform_1(%arg0: i32) -> i32 {
    %c0_i32 = arith.constant 0 : i32
    %c0_i32_0 = arith.constant 0 : i32
    return %c0_i32 : i32
  }
  func.func @transform_2(%arg0: i32) -> (i32, i32) {
    %c0_i32 = arith.constant 0 : i32
    %c0_i32_0 = arith.constant 0 : i32
    return %arg0, %c0_i32 : i32, i32
  }
  func.func @transform_3(%arg0: i32) -> (i32, i32) {
    %c0_i32 = arith.constant 0 : i32
    %c0_i32_0 = arith.constant 0 : i32
    return %arg0, %c0_i32 : i32, i32
  }
}

</mosaic_0001>

<sc_bundles>
// kernel: sparse-core-data-format-call.cloned.1.call-start
scs
called_computation_lowered:
.L_overlay_start_0:
0x0: {  	s2 =	sld [smem:$0x3FD9]  }
0x1: {  	s3 =	sld [smem:$0x3FFE];
	_ =	sdelay $0x1  }
0x2: {  	s1 =	srdreg.scid  }
0x3: {  	s0 =	sand.u32 $0x1, s1  }
0x4: {  	s18 =	sshll.u32 s0, $0xA;
	s2 =	sadd.s32 s3, s2  }
0x5: {  	s2 =	sadd.s32 s2, s18  }
0x6: {  	[smem:$0x3FC5] =	sst s2  }
0x7: {  	_ = 	snop  }
0x8: {  	s2 =	sld [smem:$0x3FD0];
	(tm) =	ssettm $0x1  }
0x9: {  	s19 =	sld [smem:$0x3FFB];
	_ =	sdelay $0x3  }
0xa: {  	_ =	strace s19  }
0xb: {  	s3 =	sld [smem:$0x3FFC];
	_ =	sdelay $0x3  }
0xc: {  	_ =	strace s3  }
0xd: {  	s3 =	sld [smem:$0x3FFD];
	_ =	sdelay $0x3  }
0xe: {  	_ =	strace s3  }
0xf: {  	_ =	strace $0x8FFFFFFF  }
0x10: {  	s20 =	sld [smem:$0x3FDB];
	_ =	sdelay $0x1  }
0x11: {  	s4 =	simm.s32 $_scs_section_size  }
0x12: {  	s5 =	simm.s32 $_size__tile_overlayer_lowered;
	s6 =	simm.s32 $_tile_overlayer_lowered  }
0x13: {  	s23 =	simm.s32 $0x1BFF;
	s22 =	sshll.u32 s6, $0x1;
	s3 =	sadd.s32 s4, s20  }
0x14: {  	s7 =	simm.s32 $0x0;
	s21 =	sshll.u32 s5, $0x1;
	s5 =	sadd.s32 s22, s3  }
0x15: {  	[timem:s7], [sflag:s23] =	dma.local [hbm:s5], s21  }
0x16: {  	_ =	swait.ge [sflag:s23], s21  }
0x17: {  	s4 =	ssub.s32 $0x0, s21;
	[sflag:s23] =	ssyncset.done $0x0  }
0x18: {  	[sflag:s23] =	ssyncadd.s32 s4;
	_ =	sdelay $0x1  }
0x19: {  	s24 =	simm.s32 $0x1B8B  }
0x1a: {  	_ =	swait.ge [sflag:s24], $0x1  }
0x1b: {  	[sflag:s24] =	ssyncset.done $0x0  }
0x1c: {  	s26 =	simm.s32 $0x1B8E;
	s25 =	sld [smem:$0x3FFE];
	[sflag:s24] =	ssyncadd.s32 $0xFFFFFFFF  }
0x1d: {  	s27 =	simm.s32 $execute0_lowered;
	[smem:$0x3FD2] =	sst s26  }
0x1e: {  	s5 =	sshll.u32 s27, $0x1;
	_ =	strace $0x80000046;
	[dreg:$0x1] =	wrdreg $0xFFFFFFFF  }
0x1f: {  	s28 =	simm.s32 $_size_execute0_lowered;
	s3 =	sadd.s32 s3, s5;
	[dreg:$0x0] =	wrdreg $0x0  }
0x20: {  	s5 =	sshll.u32 s28, $0x1;
	[dreg:$0x2] =	wrdreg s3  }
0x21: {  	[dreg:$0x3] =	wrdreg s5  }
0x22: {  	[dreg:$0x4] =	wrdreg $0xC0  }
0x23: {  	_ =	task [dreg:s7], $0x5FFFF  }
0x24: {  	[dreg:$0x1] =	wrdreg $0xFFFFFFFF  }
0x25: {  	[dreg:$0x0] =	wrdreg $0x60  }
0x26: {  	[dreg:$0x2] =	wrdreg s25  }
0x27: {  	[dreg:$0x3] =	wrdreg s2  }
0x28: {  	[dreg:$0x4] =	wrdreg $0x9  }
0x29: {  	_ =	task.clear_ibuf [dreg:s7], $0x5FFFF;
	_ =	strace $0x90000046  }
0x2a: {  	s29 =	simm.s32 $0x9;
	_ =	strace $0x80000048  }
0x2b: {  	_ =	swait.ge [sflag:s29], $0x1  }
0x2c: {  	[sflag:s29] =	ssyncadd.s32 $0xFFFFFFFF  }
0x2d: {  	_ =	strace $0x90000048  }
0x2e: {  	_ =	sfence  }
0x2f: {  	s30 =	sld [smem:$0x0];
	_ =	sdelay $0x2  }
0x30: {  	s31 =	sshll.u32 s1, $0xD;
	s1 =	sshrl.u32 s1, $0x2  }
0x31: {  	s3 =	sand.u32 $0x4000, s31;
	s1 =	sadd.s32 s1, s30  }
0x32: {  	s0 =	sor.u32 s3, s0;
	s1 =	sshll.u32 s1, $0x11  }
0x33: {  	s0 =	sor.u32 s1, s0  }
0x34: {  	s0 =	sadd.s32 $0x8F2B, s0  }
0x35: {  	[sflag:s0] =	ssyncadd.remote.s32 $0x1  }
0x36: {  	_ =	sfence.sel $0xFFFF  }
0x37: {  	[dreg:$0x0] =	wrdreg $0xFFFFFFFF;
	(pc) =	sbr.abs _section_cstart, $3  }
0x38: {  	[dreg:$0x1] =	wrdreg $0xFFFFFFFF  }
0x39: {  	_ =	task.clear_ibuf [dreg:s7], $0x2FFFF;
	_ =	strace $0x9FFFFFFF  }
0x3a: {  	(tm) =	ssettm $0x7FFFFFFF  }
0x3b: {  	_ =	shalt  }
tec
execute0_lowered:
.L_overlay_start_1:
0x0: {  	(tag) =	ssettag $0x1  }
0x1: {  	s4 =	rddreg [dreg:$0x0]  }
0x2: {  	s0 =	srdreg.scid;
	s2 =	rddreg [dreg:$0x1]  }
0x3: {  	s1 =	stileid.u32;
	s5 =	simm.s32 $0x1;
	s0 =	sshll.u32 s0, $0x4  }
0x4: {  	s7 =	simm.s32 $0x2;
	s11 =	simm.s32 $0x0;
	s3 =	sand.u32 $0x10, s0  }
.Ltmp0:
0x5: {  	p0 =	por $0x0, $0x0;
	s3 =	sor.u32 s1, s3;
	(pc) =	sbr.rel .LBB1_1-.Ltmp0, $4  }
0x6: {  	s8 =	simm.s32 $0x7A1400;
	s10 =	simm.s32 $0x0;
	s3 =	sshll.u32 s3, $0x7  }
0x7: {  	s0 =	rddreg [dreg:$0x2];
	_ =	strace $0x80000047;
	s6 =	ssub.s32 $0xF4200, s3  }
0x8: {  	s4 =	sadd.s32 $0x7A1A00, s4;
	[sflag:s5] =	ssyncpa.u1 $0x0;
	s6 =	sshrl.u32 s6, $0xC  }
0x9: {  	[sflag:s7] =	ssyncpa.u1 $0x0;
	s9 =	smov.u32 s3;
	s7 =	sadd.s32 $0x2, s6  }
.LBB1_5:
0xa: {  	s13 =	sadd.s32 $0x1000, s9  }
0xb: {  	p2 =	sgt.s32 s13, $0xF423F  }
0xc: {  	s13 =	smov.u32 @p2 s3;
	p2 =	sne.s32 s10, s7  }
.Ltmp1:
0xd: {  	p1 =	slt.u32 s10, $0x2;
	(pc) =	sbr.rel @!p2 .LBB1_6-.Ltmp1, $4  }
0xe: {  	s12 =	simm.s32 @!p1 $0x2  }
0xf: {  	s14 =	sadd.s32 $0x1, s10;
	_ =	swait.ge @!p1 [sflag:s12], $0x2000  }
0x10: {  	s11 =	smov.u32 s9;
	p0 =	por !p0, !p0;
	[sflag:s12] =	ssyncset.done @!p1 $0x0  }
0x11: {  	s10 =	smov.u32 s14;
	s9 =	smov.u32 s13;
	[sflag:s12] =	ssyncadd.s32 @!p1 $0xFFFFE000  }
.LBB1_1:
0x12: {  	p1 =	sgt.u32 s10, s6  }
0x13: {  	s13 =	smov.u32 s9;
	p2 =	sgt.s32 @!p1 s9, $0xF41C0  }
0x14: {  	s12 =	sand.u32 @!p1 $0x1FFFFFF, s9;
	s14 =	sshra.s32 @!p1 s9, $0x1F;
	p2 =	por !p2, p1  }
0x15: {  	s15 =	smulhi.u32 @!p1 $0x218DEF5, s12;
	s14 =	sand.u32 @!p1 s14, s9;
	s13 =	simm.s32 @p2 $0xF41C0  }
0x16: {  	s13 =	ssub.s32 @!p1 s13, s14  }
0x17: {  	s14 =	sshrl.u32 @!p1 s15, $0xD;
	s13 =	sadd.s32 @!p1 $0xFFF0BE40, s13  }
0x18: {  	s15 =	sxor.u32 @!p1 $0xFFFFFFFF, s10;
	s14 =	smul.u32 @!p1 $0xF4240, s14;
	s16 =	sshll.u32 @!p1 s13, $0x8  }
0x19: {  	s15 =	sshll.u32 @!p1 s15, $0xD;
	p2 =	sgt.s32 @!p1 s13, $0x7F;
	s13 =	ssub.s32 @!p1 $0x8000, s16  }
0x1a: {  	s12 =	ssub.s32 @!p1 s12, s14;
	p2 =	por !p2, p1;
	s14 =	sand.u32 @!p1 $0x2000, s15  }
0x1b: {  	s15 =	simm.s32 @!p1 $0x40;
	s13 =	sshrl.u32 @!p1 s13, $0x2;
	s12 =	sshll.u32 @!p1 s12, $0x4  }
0x1c: {  	s16 =	simm.s32 @!p1 $0x80;
	s13 =	simm.s32 @!p2 $0x0;
	s12 =	sadd.s32 @!p1 s4, s12  }
0x1d: {  	[tilespmem:s14], [sflag:$0x1] =	stream.strided.gather @!p1 [hbm4b:s12+s15], s13, s16, s15, $0x38;
	[tilespmem:$0x8080] =	vst v63  }
0x1e: {  	p1 =	seq.s32 s10, $0x0  }
0x1f: {  	p2 =	sge.u32 @!p1 s10, s7  }
0x20: {  	p1 =	por p1, p2  }
.Ltmp2:
0x21: {  	_ = 	snop;
	(pc) =	sbr.rel @p1 .LBB1_5-.Ltmp2, $1  }
0x22: {  	_ =	sdelay $0x3  }
0x23: {  	p1 =	sgt.s32 s11, $0xF41C0;
	s12 =	smov.u32 s11;
	s13 =	sshra.s32 s11, $0x1F  }
0x24: {  	s12 =	simm.s32 @!p1 $0xF41C0;
	s13 =	sand.u32 s13, s11  }
0x25: {  	s12 =	ssub.s32 s12, s13  }
0x26: {  	s12 =	sadd.s32 $0xFFF0BE40, s12  }
0x27: {  	s28 =	sshll.u32 s12, $0x8  }
0x28: {  	s13 =	ssub.s32 $0x8000, s28  }
0x29: {  	p1 =	sgt.s32 s12, $0x7F;
	s12 =	sshrl.u32 s13, $0x2  }
0x2a: {  	s13 =	simm.s32 $0x1;
	s12 =	simm.s32 @p1 $0x0  }
0x2b: {  	s13 =	simm.s32 @!p0 $0x0;
	_ =	swait.ge [sflag:s5], s12  }
0x2c: {  	s14 =	sshll.u32 s13, $0xD;
	s12 =	ssub.s32 $0x0, s12;
	[sflag:s5] =	ssyncset.done $0x0  }
0x2d: {  	s16 =	sor.u32 $0x20, s14;
	[sflag:s5] =	ssyncadd.s32 s12  }
0x2e: {  	s29 =	smul.u32 $0x8100, s13;
	v3 =	vld [tilespmem:s16+$0x10]  }
0x2f: {  	s30 =	sand.u32 $0x1, s10;
	v2 =	vld [tilespmem:s16+$0xFFFFFFF0]  }
0x30: {  	s13 =	smul.u32 $0x8100, s30;
	s12 =	sshrl.u32 s29, $0x2;
	v0 =	vld [tilespmem:s16+$0x0]  }
0x31: {  	s14 =	sor.u32 $0x4000, s12;
	v1 =	vld [tilespmem:s16+$0xFFFFFFE0]  }
0x32: {  	s31 =	sshrl.u32 s13, $0x2;
	s13 =	sadd.s32 $0x0, s14  }
0x33: {  	s15 =	simm.s32 $0x4;
	s12 =	sor.u32 $0x4000, s31;
	s16 =	sadd.s32 $0x40, s16;
	[tilespmem:s13+$0x1830 ss:$0x81] =	vst.msk $0xffff, v3  }
.LBB1_3:
0x34: {  	v3 =	vld [tilespmem:s16+$0x10];
	p1 =	sne.s32 s15, $0x1FC;
	[tilespmem:s13+$0x810 ss:$0x81] =	vst.msk $0xffff, v2;
	s17 =	smov.u32 s15;
	s15 =	sadd.s32 $0x4, s15  }
.Ltmp3:
0x35: {  	v2 =	vld [tilespmem:s16+$0xFFFFFFF0];
	[tilespmem:s13+$0x1020 ss:$0x81] =	vst.msk $0xffff, v0;
	(pc) =	sbr.rel @p1 .LBB1_3-.Ltmp3, $4  }
0x36: {  	v0 =	vld [tilespmem:s16+$0x0];
	[tilespmem:s13+$0x0 ss:$0x81] =	vst.msk $0xffff, v1  }
0x37: {  	s13 =	sshra.s32 s17, $0x2;
	v1 =	vld [tilespmem:s16+$0xFFFFFFE0]  }
0x38: {  	s13 =	sadd.s32 s13, s14  }
0x39: {  	s16 =	sadd.s32 $0x40, s16;
	[tilespmem:s13+$0x1830 ss:$0x81] =	vst.msk $0xffff, v3  }
0x3a: {  	s14 =	sshll.u32 s11, $0x3  }
0x3b: {  	s30 =	sand.u32 $0x7F, s11;
	s14 =	sand.u32 $0xFFFFFC00, s14  }
0x3c: {  	s11 =	sor.u32 s30, s14  }
0x3d: {  	s15 =	smulhi.u32 $0x218D6287, s11;
	_ =	sdelay $0x1  }
0x3e: {  	s14 =	smulhi.u32 $0x218D6287, s14;
	s15 =	sshrl.u32 s15, $0x11  }
0x3f: {  	s15 =	smul.u32 $0xF4280, s15  }
0x40: {  	s14 =	sshrl.u32 s14, $0x11  }
.Ltmp4:
0x41: {  	s14 =	sand.u32 $0x3F, s14;
	s11 =	ssub.s32 s11, s15;
	(pc) =	sbr.rel .LBB1_5-.Ltmp4, $4  }
0x42: {  	[tilespmem:s13+$0x810 ss:$0x81] =	vst.msk $0xffff, v2;
	s14 =	smul.u32 $0x1E850, s14;
	s15 =	sshrl.u32 s11, $0x3;
	s11 =	sand.u32 $0x7, s11  }
0x43: {  	[tilespmem:s13+$0x1020 ss:$0x81] =	vst.msk $0xffff, v0;
	s15 =	sadd.s32 s2, s15;
	s11 =	sshll.u32 s11, $0x12  }
0x44: {  	[tilespmem:s13+$0x0 ss:$0x81] =	vst.msk $0xffff, v1;
	s31 =	sadd.s32 s14, s15;
	s11 =	sor.u32 $0x400, s11  }
0x45: {  	[hbm4b:s31+s11] =	stream.strided.scatter [tilespmem:s12], [sflag:$0x2], $0x2000, s8, s11, $0x20;
	[tilespmem:$0x8080] =	vst v63  }
.LBB1_6:
0x46: {  	_ =	sfence.sel $0x180000  }
0x47: {  	s2 =	simm.s32 $0x1;
	[bflag:$0x0] =	sbarrier.arrive $0xFFFF  }
0x48: {  	s31 =	simm.s32 $0x2;
	[sflag:s2] =	ssyncpa.u1 $0x1  }
0x49: {  	[sflag:s31] =	ssyncpa.u1 $0x1  }
0x4a: {  	p0 =	sne.s32 s1, $0x0;
	_ =	strace $0x90000047  }
0x4b: {  	s0 =	sadd.s32 @!p0 $0x100000, s0;
	[bflag:$0x2] =	sbarrier.arrive $0xFFFF  }
0x4c: {  	[sflag:s0] =	ssyncadd.tile.s32 @!p0 $0x1;
	_ =	shalt  }
.Lfunc_end1:
_tile_overlayer_lowered:
.L_overlay_start_2:
0x4d: {  	(tag) =	ssettag $0x2  }
0x4e: {  	s0 =	rddreg [dreg:$0x0];
	s2 =	stileid.u32  }
0x4f: {  	s1 =	rddreg [dreg:$0x1];
	p0 =	sne.s32 s2, $0x0  }
0x50: {  	s3 =	rddreg [dreg:$0x2];
	[bflag:$0x3] =	sbarrier.arrive $0xFFFF;
	s2 =	simm.s32 @!p0 $0x1C01  }
0x51: {  	[timem:s3], [sflag:s2] =	dma.local @!p0 [hbm:s0], s1  }
0x52: {  	s0 =	simm.s32 @!p0 $0x1  }
0x53: {  	_ =	swait.ge @!p0 [sflag:s0], s1  }
0x54: {  	s1 =	ssub.s32 @!p0 $0x0, s1;
	[sflag:s0] =	ssyncset.done @!p0 $0x0  }
0x55: {  	[sflag:s0] =	ssyncadd.s32 @!p0 s1  }
0x56: {  	[bflag:$0x3] =	sbarrier.arrive $0xFFFF  }
0x57: {  	_ =	shalt  }

</sc_bundles>
